<compile_context>
chip_gen: v7x
topology: tpu7x:2x2x1
jax: 0.10.2.dev20260603
libtpu: 0.0.44.dev20260713+nightly
codegen_flags: <defaults>
</compile_context>

<pallas_src>
import functools
import math

import jax
import jax.numpy as jnp
from jax import lax
from jax.experimental import pallas as pl
from jax.experimental.pallas import tpu as pltpu
from jax.experimental.pallas import tpu_sc as plsc

_NC = 2
_NS = 16
_NW = _NC * _NS
_CA = 128
_NP = 2


def _emb_body(scale, hist, rows_per_w, table_hbm, idx_hbm, out_hbm,
              tbl_sp, tbuf_v, idx_v, rowsA, rowsB,
              gA0, gA1, gB0, gB1, oA, oB):
    c = lax.axis_index("c")
    s = lax.axis_index("s")
    rows_v = (rowsA, rowsB)
    gsem = ((gA0, gA1), (gB0, gB1))
    osem = (oA, oB)
    d = tbl_sp.shape[1]
    cb = hist - _CA

    wid = s * _NC + c
    row0 = wid * rows_per_w
    pltpu.async_copy(idx_hbm.at[pl.ds(row0, rows_per_w)], idx_v, gA0)

    rows_per_sub = tbl_sp.shape[0] // _NS
    base_r = s * rows_per_sub
    pltpu.sync_copy(table_hbm.at[pl.ds(base_r, rows_per_sub)], tbuf_v)
    vecs_per_row = d // 16

    def mul_body(r, carry):
        for cv in range(vecs_per_row):
            col = cv * 16
            tbuf_v[r, pl.ds(col, 16)] = (
                tbuf_v[r, pl.ds(col, 16)] * jnp.float32(scale))
        return carry

    lax.fori_loop(0, rows_per_sub, mul_body, 0)
    pltpu.sync_copy(tbuf_v, tbl_sp.at[pl.ds(base_r, rows_per_sub)])
    pltpu.make_async_copy(idx_hbm.at[pl.ds(row0, rows_per_w)], idx_v, gA0).wait()
    plsc.subcore_barrier()

    def start_gathers(r, p):
        pltpu.async_copy(tbl_sp.at[idx_v.at[r, pl.ds(0, _CA)]],
                         rows_v[p].at[pl.ds(0, _CA)], gsem[p][0])
        pltpu.async_copy(tbl_sp.at[idx_v.at[r, pl.ds(_CA, cb)]],
                         rows_v[p].at[pl.ds(_CA, cb)], gsem[p][1])

    def wait_gathers(r, p):
        pltpu.make_async_copy(tbl_sp.at[idx_v.at[r, pl.ds(0, _CA)]],
                              rows_v[p].at[pl.ds(0, _CA)], gsem[p][0]).wait()
        pltpu.make_async_copy(tbl_sp.at[idx_v.at[r, pl.ds(_CA, cb)]],
                              rows_v[p].at[pl.ds(_CA, cb)], gsem[p][1]).wait()

    def start_store(r, p):
        pltpu.async_copy(
            rows_v[p], out_hbm.at[pl.ds((row0 + r) * hist, hist)], osem[p])

    def wait_store(r, p):
        pltpu.make_async_copy(
            rows_v[p], out_hbm.at[pl.ds((row0 + r) * hist, hist)],
            osem[p]).wait()

    for p in range(_NP):
        start_gathers(p, p)

    n_outer = rows_per_w // _NP

    def ring_body(q, carry):
        rbase = q * _NP
        for p in range(_NP):
            wait_gathers(rbase + p, p)
            start_store(rbase + p, p)

        @pl.when(q < n_outer - 1)
        def _():
            for p in range(_NP):
                wait_store(rbase + p, p)
                start_gathers(rbase + _NP + p, p)

        return carry

    lax.fori_loop(0, n_outer, ring_body, 0)
    for p in range(_NP):
        wait_store(rows_per_w - _NP + p, p)


def kernel(x, table):
    vocab, d = table.shape
    batch, hist = x.shape
    scale = math.sqrt(float(d))
    b_total = batch * hist
    rows_per_w = batch // _NW
    vocab_pad = ((vocab + 63) // 64) * 64
    table_p = jnp.pad(table, ((0, vocab_pad - vocab), (0, 0)))
    idx = x.astype(jnp.int32)

    mesh = plsc.VectorSubcoreMesh(core_axis_name="c", subcore_axis_name="s")
    run = pl.kernel(
        functools.partial(_emb_body, scale, hist, rows_per_w),
        mesh=mesh,
        out_type=jax.ShapeDtypeStruct((b_total, d), jnp.float32),
        scratch_types=[
            pltpu.VMEM_SHARED((vocab_pad, d), jnp.float32),
            pltpu.VMEM((vocab_pad // _NS, d), jnp.float32),
            pltpu.VMEM((rows_per_w, hist), jnp.int32),
            pltpu.VMEM((hist, d), jnp.float32),
            pltpu.VMEM((hist, d), jnp.float32),
        ] + [pltpu.SemaphoreType.DMA for _ in range(6)],
    )
    out = run(table_p, idx)
    return out.reshape(batch, hist, d)

# --- scband reference (transcript-rebuilt; emitter-appended) ---
"""Pipeline reference for scband-embedding-79577154060322 (READ-ONLY COPY).

The authoritative reference and input builder live on the scoring server;
editing this copy changes nothing except your own understanding.
"""

import jax, jax.numpy as jnp
import numpy as np
import math

VOCAB = 1000
D_EMBED = 128
BATCH = 4096
HIST = 200

def setup_inputs(seed: int = 0) -> dict:
    key = jax.random.key(seed)
    k1, k2 = jax.random.split(key)
    x = jax.random.randint(k1, (BATCH, HIST), 0, 990)
    table = jax.random.normal(k2, (VOCAB, D_EMBED), dtype=jnp.float32)
    return {"x": x, "table": table}

def reference(x, table):
    # nn.Embedding lookup followed by scale by sqrt(d_embed)
    out = jnp.take(table, x, axis=0) * math.sqrt(float(D_EMBED))
    return out

if __name__ == "__main__":
    import jax
    _d = setup_inputs()
    print(jax.jit(kernel)(*tuple(_d.values())))

</pallas_src>

<mosaic_0001>
#map = affine_map<(d0, d1) -> (0, 0)>
module attributes {stable_mosaic.version = 14 : i64} {
  func.func @_emb_body(%arg0: i32, %arg1: i32, %arg2: memref<1024x128xf32, #tpu.memory_space<hbm>>, %arg3: memref<4096x200xi32, #tpu.memory_space<hbm>>, %arg4: memref<819200x128xf32, #tpu.memory_space<hbm>>, %arg5: memref<1024x128xf32, #tpu.memory_space<vmem_shared>>, %arg6: memref<64x128xf32, #tpu.memory_space<vmem>>, %arg7: memref<128x200xi32, #tpu.memory_space<vmem>>, %arg8: memref<200x128xf32, #tpu.memory_space<vmem>>, %arg9: memref<200x128xf32, #tpu.memory_space<vmem>>, %arg10: memref<!tpu.dma_semaphore, #tpu.memory_space<semaphore_mem>>, %arg11: memref<!tpu.dma_semaphore, #tpu.memory_space<semaphore_mem>>, %arg12: memref<!tpu.dma_semaphore, #tpu.memory_space<semaphore_mem>>, %arg13: memref<!tpu.dma_semaphore, #tpu.memory_space<semaphore_mem>>, %arg14: memref<!tpu.dma_semaphore, #tpu.memory_space<semaphore_mem>>, %arg15: memref<!tpu.dma_semaphore, #tpu.memory_space<semaphore_mem>>) attributes {dimension_semantics = [#tpu.dimension_semantics<core_parallel>, #tpu.dimension_semantics<subcore_parallel>], iteration_bounds = array<i64: 2, 16>, scalar_prefetch = 0 : i64, scratch_operands = 11 : i64, tpu.core_type = #tpu.core_type<sc_vector_subcore>, window_params = [{transform_indices = #map}, {transform_indices = #map}, {transform_indices = #map}]} {
    %mul3A = arith.constant 2 : i32
    %mul3A_0 = arith.muli %arg1, %mul3A : i32
    %add3A = arith.addi %mul3A_0, %arg0 : i32
    %mul3A_1 = arith.constant 128 : i32
    %mul3A_2 = arith.muli %add3A, %mul3A_1 : i32
    %dma_start3A = arith.constant 0 : i32
    %dma_start3A_3 = tpu.memref_slice %arg3[%mul3A_2, %dma_start3A] : memref<4096x200xi32, #tpu.memory_space<hbm>> -> memref<128x200xi32, #tpu.memory_space<hbm>>
    %dma_start3A_4 = arith.constant 0 : i32
    %dma_start3A_5 = tpu.memref_slice %arg3[%mul3A_2, %dma_start3A_4] : memref<4096x200xi32, #tpu.memory_space<hbm>> -> memref<128x200xi32, #tpu.memory_space<hbm>>
    tpu.enqueue_dma source(%dma_start3A_5 : memref<128x200xi32, #tpu.memory_space<hbm>>) target(%arg7 : memref<128x200xi32, #tpu.memory_space<vmem>>) target_semaphore(%arg10 : memref<!tpu.dma_semaphore, #tpu.memory_space<semaphore_mem>>)
    %mul3A_6 = arith.constant 64 : i32
    %mul3A_7 = arith.muli %arg1, %mul3A_6 : i32
    "tpu.region"() ({
      %run_scoped3A = tpu.sem_alloc : memref<!tpu.dma_semaphore, #tpu.memory_space<semaphore_mem>>
      %dma_start3A_78 = arith.constant 0 : i32
      %dma_start3A_79 = tpu.memref_slice %arg2[%mul3A_7, %dma_start3A_78] : memref<1024x128xf32, #tpu.memory_space<hbm>> -> memref<64x128xf32, #tpu.memory_space<hbm>>
      %dma_start3A_80 = arith.constant 0 : i32
      %dma_start3A_81 = tpu.memref_slice %arg2[%mul3A_7, %dma_start3A_80] : memref<1024x128xf32, #tpu.memory_space<hbm>> -> memref<64x128xf32, #tpu.memory_space<hbm>>
      tpu.enqueue_dma source(%dma_start3A_81 : memref<64x128xf32, #tpu.memory_space<hbm>>) target(%arg6 : memref<64x128xf32, #tpu.memory_space<vmem>>) target_semaphore(%run_scoped3A : memref<!tpu.dma_semaphore, #tpu.memory_space<semaphore_mem>>)
      %dma_wait3A_82 = arith.constant 0 : i32
      %dma_wait3A_83 = tpu.memref_slice %arg2[%mul3A_7, %dma_wait3A_82] : memref<1024x128xf32, #tpu.memory_space<hbm>> -> memref<64x128xf32, #tpu.memory_space<hbm>>
      %dma_wait3A_84 = arith.constant 0 : i32
      %dma_wait3A_85 = tpu.memref_slice %arg2[%mul3A_7, %dma_wait3A_84] : memref<1024x128xf32, #tpu.memory_space<hbm>> -> memref<64x128xf32, #tpu.memory_space<hbm>>
      tpu.wait_dma2 semaphore(%run_scoped3A : memref<!tpu.dma_semaphore, #tpu.memory_space<semaphore_mem>>) src(%dma_wait3A_85 : memref<64x128xf32, #tpu.memory_space<hbm>>) dst(%arg6 : memref<64x128xf32, #tpu.memory_space<vmem>>)
      tpu.yield
    }) : () -> ()
    %scan3A = arith.constant 0 : i32
    %scan3A_8 = arith.constant 0 : i32
    %scan3A_9 = arith.constant 64 : i32
    %scan3A_10 = arith.addi %scan3A_8, %scan3A_9 : i32
    %scan3A_11 = arith.constant 1 : i32
    scf.for %scan3A_78 = %scan3A_8 to %scan3A_10 step %scan3A_11  : i32 {
      %get3A = arith.index_cast %scan3A_78 : i32 to index
      %get3A_79 = arith.constant 0 : index
      %get3A_80 = tpu.vector_load %arg6[%get3A, %get3A_79] {strides = array<i32>} : memref<64x128xf32, #tpu.memory_space<vmem>>, vector<1x16xf32>,
      %get3A_81 = vector.shape_cast %get3A_80 : vector<1x16xf32> to vector<16xf32>
      %mul3A_82 = arith.constant 11.3137083 : f32
      %mul3A_83 = vector.broadcast %mul3A_82 : f32 to vector<16xf32>
      %mul3A_84 = arith.mulf %get3A_81, %mul3A_83 : vector<16xf32>
      %swap3A = arith.index_cast %scan3A_78 : i32 to index
      %swap3A_85 = arith.constant 0 : index
      %swap3A_86 = tpu.vector_load %arg6[%swap3A, %swap3A_85] {strides = array<i32>} : memref<64x128xf32, #tpu.memory_space<vmem>>, vector<1x16xf32>,
      %swap3A_87 = vector.shape_cast %swap3A_86 : vector<1x16xf32> to vector<16xf32>
      %swap3A_88 = vector.shape_cast %mul3A_84 : vector<16xf32> to vector<1x16xf32>
      tpu.vector_store %arg6[%swap3A, %swap3A_85], %swap3A_88 {strides = array<i32>} : memref<64x128xf32, #tpu.memory_space<vmem>>, vector<1x16xf32>,
      %get3A_89 = arith.index_cast %scan3A_78 : i32 to index
      %get3A_90 = arith.constant 16 : index
      %get3A_91 = tpu.vector_load %arg6[%get3A_89, %get3A_90] {strides = array<i32>} : memref<64x128xf32, #tpu.memory_space<vmem>>, vector<1x16xf32>,
      %get3A_92 = vector.shape_cast %get3A_91 : vector<1x16xf32> to vector<16xf32>
      %mul3A_93 = arith.constant 11.3137083 : f32
      %mul3A_94 = vector.broadcast %mul3A_93 : f32 to vector<16xf32>
      %mul3A_95 = arith.mulf %get3A_92, %mul3A_94 : vector<16xf32>
      %swap3A_96 = arith.index_cast %scan3A_78 : i32 to index
      %swap3A_97 = arith.constant 16 : index
      %swap3A_98 = tpu.vector_load %arg6[%swap3A_96, %swap3A_97] {strides = array<i32>} : memref<64x128xf32, #tpu.memory_space<vmem>>, vector<1x16xf32>,
      %swap3A_99 = vector.shape_cast %swap3A_98 : vector<1x16xf32> to vector<16xf32>
      %swap3A_100 = vector.shape_cast %mul3A_95 : vector<16xf32> to vector<1x16xf32>
      tpu.vector_store %arg6[%swap3A_96, %swap3A_97], %swap3A_100 {strides = array<i32>} : memref<64x128xf32, #tpu.memory_space<vmem>>, vector<1x16xf32>,
      %get3A_101 = arith.index_cast %scan3A_78 : i32 to index
      %get3A_102 = arith.constant 32 : index
      %get3A_103 = tpu.vector_load %arg6[%get3A_101, %get3A_102] {strides = array<i32>} : memref<64x128xf32, #tpu.memory_space<vmem>>, vector<1x16xf32>,
      %get3A_104 = vector.shape_cast %get3A_103 : vector<1x16xf32> to vector<16xf32>
      %mul3A_105 = arith.constant 11.3137083 : f32
      %mul3A_106 = vector.broadcast %mul3A_105 : f32 to vector<16xf32>
      %mul3A_107 = arith.mulf %get3A_104, %mul3A_106 : vector<16xf32>
      %swap3A_108 = arith.index_cast %scan3A_78 : i32 to index
      %swap3A_109 = arith.constant 32 : index
      %swap3A_110 = tpu.vector_load %arg6[%swap3A_108, %swap3A_109] {strides = array<i32>} : memref<64x128xf32, #tpu.memory_space<vmem>>, vector<1x16xf32>,
      %swap3A_111 = vector.shape_cast %swap3A_110 : vector<1x16xf32> to vector<16xf32>
      %swap3A_112 = vector.shape_cast %mul3A_107 : vector<16xf32> to vector<1x16xf32>
      tpu.vector_store %arg6[%swap3A_108, %swap3A_109], %swap3A_112 {strides = array<i32>} : memref<64x128xf32, #tpu.memory_space<vmem>>, vector<1x16xf32>,
      %get3A_113 = arith.index_cast %scan3A_78 : i32 to index
      %get3A_114 = arith.constant 48 : index
      %get3A_115 = tpu.vector_load %arg6[%get3A_113, %get3A_114] {strides = array<i32>} : memref<64x128xf32, #tpu.memory_space<vmem>>, vector<1x16xf32>,
      %get3A_116 = vector.shape_cast %get3A_115 : vector<1x16xf32> to vector<16xf32>
      %mul3A_117 = arith.constant 11.3137083 : f32
      %mul3A_118 = vector.broadcast %mul3A_117 : f32 to vector<16xf32>
      %mul3A_119 = arith.mulf %get3A_116, %mul3A_118 : vector<16xf32>
      %swap3A_120 = arith.index_cast %scan3A_78 : i32 to index
      %swap3A_121 = arith.constant 48 : index
      %swap3A_122 = tpu.vector_load %arg6[%swap3A_120, %swap3A_121] {strides = array<i32>} : memref<64x128xf32, #tpu.memory_space<vmem>>, vector<1x16xf32>,
      %swap3A_123 = vector.shape_cast %swap3A_122 : vector<1x16xf32> to vector<16xf32>
      %swap3A_124 = vector.shape_cast %mul3A_119 : vector<16xf32> to vector<1x16xf32>
      tpu.vector_store %arg6[%swap3A_120, %swap3A_121], %swap3A_124 {strides = array<i32>} : memref<64x128xf32, #tpu.memory_space<vmem>>, vector<1x16xf32>,
      %get3A_125 = arith.index_cast %scan3A_78 : i32 to index
      %get3A_126 = arith.constant 64 : index
      %get3A_127 = tpu.vector_load %arg6[%get3A_125, %get3A_126] {strides = array<i32>} : memref<64x128xf32, #tpu.memory_space<vmem>>, vector<1x16xf32>,
      %get3A_128 = vector.shape_cast %get3A_127 : vector<1x16xf32> to vector<16xf32>
      %mul3A_129 = arith.constant 11.3137083 : f32
      %mul3A_130 = vector.broadcast %mul3A_129 : f32 to vector<16xf32>
      %mul3A_131 = arith.mulf %get3A_128, %mul3A_130 : vector<16xf32>
      %swap3A_132 = arith.index_cast %scan3A_78 : i32 to index
      %swap3A_133 = arith.constant 64 : index
      %swap3A_134 = tpu.vector_load %arg6[%swap3A_132, %swap3A_133] {strides = array<i32>} : memref<64x128xf32, #tpu.memory_space<vmem>>, vector<1x16xf32>,
      %swap3A_135 = vector.shape_cast %swap3A_134 : vector<1x16xf32> to vector<16xf32>
      %swap3A_136 = vector.shape_cast %mul3A_131 : vector<16xf32> to vector<1x16xf32>
      tpu.vector_store %arg6[%swap3A_132, %swap3A_133], %swap3A_136 {strides = array<i32>} : memref<64x128xf32, #tpu.memory_space<vmem>>, vector<1x16xf32>,
      %get3A_137 = arith.index_cast %scan3A_78 : i32 to index
      %get3A_138 = arith.constant 80 : index
      %get3A_139 = tpu.vector_load %arg6[%get3A_137, %get3A_138] {strides = array<i32>} : memref<64x128xf32, #tpu.memory_space<vmem>>, vector<1x16xf32>,
      %get3A_140 = vector.shape_cast %get3A_139 : vector<1x16xf32> to vector<16xf32>
      %mul3A_141 = arith.constant 11.3137083 : f32
      %mul3A_142 = vector.broadcast %mul3A_141 : f32 to vector<16xf32>
      %mul3A_143 = arith.mulf %get3A_140, %mul3A_142 : vector<16xf32>
      %swap3A_144 = arith.index_cast %scan3A_78 : i32 to index
      %swap3A_145 = arith.constant 80 : index
      %swap3A_146 = tpu.vector_load %arg6[%swap3A_144, %swap3A_145] {strides = array<i32>} : memref<64x128xf32, #tpu.memory_space<vmem>>, vector<1x16xf32>,
      %swap3A_147 = vector.shape_cast %swap3A_146 : vector<1x16xf32> to vector<16xf32>
      %swap3A_148 = vector.shape_cast %mul3A_143 : vector<16xf32> to vector<1x16xf32>
      tpu.vector_store %arg6[%swap3A_144, %swap3A_145], %swap3A_148 {strides = array<i32>} : memref<64x128xf32, #tpu.memory_space<vmem>>, vector<1x16xf32>,
      %get3A_149 = arith.index_cast %scan3A_78 : i32 to index
      %get3A_150 = arith.constant 96 : index
      %get3A_151 = tpu.vector_load %arg6[%get3A_149, %get3A_150] {strides = array<i32>} : memref<64x128xf32, #tpu.memory_space<vmem>>, vector<1x16xf32>,
      %get3A_152 = vector.shape_cast %get3A_151 : vector<1x16xf32> to vector<16xf32>
      %mul3A_153 = arith.constant 11.3137083 : f32
      %mul3A_154 = vector.broadcast %mul3A_153 : f32 to vector<16xf32>
      %mul3A_155 = arith.mulf %get3A_152, %mul3A_154 : vector<16xf32>
      %swap3A_156 = arith.index_cast %scan3A_78 : i32 to index
      %swap3A_157 = arith.constant 96 : index
      %swap3A_158 = tpu.vector_load %arg6[%swap3A_156, %swap3A_157] {strides = array<i32>} : memref<64x128xf32, #tpu.memory_space<vmem>>, vector<1x16xf32>,
      %swap3A_159 = vector.shape_cast %swap3A_158 : vector<1x16xf32> to vector<16xf32>
      %swap3A_160 = vector.shape_cast %mul3A_155 : vector<16xf32> to vector<1x16xf32>
      tpu.vector_store %arg6[%swap3A_156, %swap3A_157], %swap3A_160 {strides = array<i32>} : memref<64x128xf32, #tpu.memory_space<vmem>>, vector<1x16xf32>,
      %get3A_161 = arith.index_cast %scan3A_78 : i32 to index
      %get3A_162 = arith.constant 112 : index
      %get3A_163 = tpu.vector_load %arg6[%get3A_161, %get3A_162] {strides = array<i32>} : memref<64x128xf32, #tpu.memory_space<vmem>>, vector<1x16xf32>,
      %get3A_164 = vector.shape_cast %get3A_163 : vector<1x16xf32> to vector<16xf32>
      %mul3A_165 = arith.constant 11.3137083 : f32
      %mul3A_166 = vector.broadcast %mul3A_165 : f32 to vector<16xf32>
      %mul3A_167 = arith.mulf %get3A_164, %mul3A_166 : vector<16xf32>
      %swap3A_168 = arith.index_cast %scan3A_78 : i32 to index
      %swap3A_169 = arith.constant 112 : index
      %swap3A_170 = tpu.vector_load %arg6[%swap3A_168, %swap3A_169] {strides = array<i32>} : memref<64x128xf32, #tpu.memory_space<vmem>>, vector<1x16xf32>,
      %swap3A_171 = vector.shape_cast %swap3A_170 : vector<1x16xf32> to vector<16xf32>
      %swap3A_172 = vector.shape_cast %mul3A_167 : vector<16xf32> to vector<1x16xf32>
      tpu.vector_store %arg6[%swap3A_168, %swap3A_169], %swap3A_172 {strides = array<i32>} : memref<64x128xf32, #tpu.memory_space<vmem>>, vector<1x16xf32>,
    }
    %scan3A_12 = arith.constant 64 : i32
    "tpu.region"() ({
      %run_scoped3A = tpu.sem_alloc : memref<!tpu.dma_semaphore, #tpu.memory_space<semaphore_mem>>
      %dma_start3A_78 = arith.constant 0 : i32
      %dma_start3A_79 = tpu.memref_slice %arg5[%mul3A_7, %dma_start3A_78] : memref<1024x128xf32, #tpu.memory_space<vmem_shared>> -> memref<64x128xf32, #tpu.memory_space<vmem_shared>>
      %dma_start3A_80 = arith.constant 0 : i32
      %dma_start3A_81 = tpu.memref_slice %arg5[%mul3A_7, %dma_start3A_80] : memref<1024x128xf32, #tpu.memory_space<vmem_shared>> -> memref<64x128xf32, #tpu.memory_space<vmem_shared>>
      tpu.enqueue_dma source(%arg6 : memref<64x128xf32, #tpu.memory_space<vmem>>) target(%dma_start3A_81 : memref<64x128xf32, #tpu.memory_space<vmem_shared>>) target_semaphore(%run_scoped3A : memref<!tpu.dma_semaphore, #tpu.memory_space<semaphore_mem>>)
      %dma_wait3A_82 = arith.constant 0 : i32
      %dma_wait3A_83 = tpu.memref_slice %arg5[%mul3A_7, %dma_wait3A_82] : memref<1024x128xf32, #tpu.memory_space<vmem_shared>> -> memref<64x128xf32, #tpu.memory_space<vmem_shared>>
      %dma_wait3A_84 = arith.constant 0 : i32
      %dma_wait3A_85 = tpu.memref_slice %arg5[%mul3A_7, %dma_wait3A_84] : memref<1024x128xf32, #tpu.memory_space<vmem_shared>> -> memref<64x128xf32, #tpu.memory_space<vmem_shared>>
      tpu.wait_dma2 semaphore(%run_scoped3A : memref<!tpu.dma_semaphore, #tpu.memory_space<semaphore_mem>>) src(%arg6 : memref<64x128xf32, #tpu.memory_space<vmem>>) dst(%dma_wait3A_85 : memref<64x128xf32, #tpu.memory_space<vmem_shared>>)
      tpu.yield
    }) : () -> ()
    %dma_wait3A = arith.constant 0 : i32
    %dma_wait3A_13 = tpu.memref_slice %arg3[%mul3A_2, %dma_wait3A] : memref<4096x200xi32, #tpu.memory_space<hbm>> -> memref<128x200xi32, #tpu.memory_space<hbm>>
    %dma_wait3A_14 = arith.constant 0 : i32
    %dma_wait3A_15 = tpu.memref_slice %arg3[%mul3A_2, %dma_wait3A_14] : memref<4096x200xi32, #tpu.memory_space<hbm>> -> memref<128x200xi32, #tpu.memory_space<hbm>>
    tpu.wait_dma2 semaphore(%arg10 : memref<!tpu.dma_semaphore, #tpu.memory_space<semaphore_mem>>) src(%dma_wait3A_15 : memref<128x200xi32, #tpu.memory_space<hbm>>) dst(%arg7 : memref<128x200xi32, #tpu.memory_space<vmem>>)
    %barrier3A = arith.constant 0 : index
    tpu.barrier barrier_id(%barrier3A)
    %dma_start3A_16 = arith.constant 0 : i32
    %dma_start3A_17 = arith.constant 0 : i32
    %dma_start3A_18 = arith.constant 0 : i32
    %dma_start3A_19 = tpu.memref_slice %arg8[%dma_start3A_17, %dma_start3A_18] : memref<200x128xf32, #tpu.memory_space<vmem>> -> memref<128x128xf32, #tpu.memory_space<vmem>>
    %dma_start3A_20 = arith.constant 0 : i32
    %dma_start3A_21 = tpu.memref_slice %arg7[%dma_start3A_16, %dma_start3A_20] : memref<128x200xi32, #tpu.memory_space<vmem>> -> memref<1x128xi32, #tpu.memory_space<vmem>>
    %dma_start3A_22 = tpu.memref_squeeze %dma_start3A_21 : memref<1x128xi32, #tpu.memory_space<vmem>> -> memref<128xi32, #tpu.memory_space<vmem>>
    %dma_start3A_23 = arith.constant 0 : i32
    %dma_start3A_24 = arith.constant 0 : i32
    %dma_start3A_25 = tpu.memref_slice %arg5[%dma_start3A_23, %dma_start3A_24] : memref<1024x128xf32, #tpu.memory_space<vmem_shared>> -> memref<1024x128xf32, #tpu.memory_space<vmem_shared>>
    tpu.enqueue_indirect_dma source(%dma_start3A_25 : memref<1024x128xf32, #tpu.memory_space<vmem_shared>>) target(%dma_start3A_19 : memref<128x128xf32, #tpu.memory_space<vmem>>) offsets(%dma_start3A_22 : memref<128xi32, #tpu.memory_space<vmem>>) semaphore(%arg10 : memref<!tpu.dma_semaphore, #tpu.memory_space<semaphore_mem>>)
    %dma_start3A_26 = arith.constant 0 : i32
    %dma_start3A_27 = arith.constant 128 : i32
    %dma_start3A_28 = arith.constant 0 : i32
    %dma_start3A_29 = tpu.memref_slice %arg8[%dma_start3A_27, %dma_start3A_28] : memref<200x128xf32, #tpu.memory_space<vmem>> -> memref<72x128xf32, #tpu.memory_space<vmem>>
    %dma_start3A_30 = arith.constant 128 : i32
    %dma_start3A_31 = tpu.memref_slice %arg7[%dma_start3A_26, %dma_start3A_30] : memref<128x200xi32, #tpu.memory_space<vmem>> -> memref<1x72xi32, #tpu.memory_space<vmem>>
    %dma_start3A_32 = tpu.memref_squeeze %dma_start3A_31 : memref<1x72xi32, #tpu.memory_space<vmem>> -> memref<72xi32, #tpu.memory_space<vmem>>
    %dma_start3A_33 = arith.constant 0 : i32
    %dma_start3A_34 = arith.constant 0 : i32
    %dma_start3A_35 = tpu.memref_slice %arg5[%dma_start3A_33, %dma_start3A_34] : memref<1024x128xf32, #tpu.memory_space<vmem_shared>> -> memref<1024x128xf32, #tpu.memory_space<vmem_shared>>
    tpu.enqueue_indirect_dma source(%dma_start3A_35 : memref<1024x128xf32, #tpu.memory_space<vmem_shared>>) target(%dma_start3A_29 : memref<72x128xf32, #tpu.memory_space<vmem>>) offsets(%dma_start3A_32 : memref<72xi32, #tpu.memory_space<vmem>>) semaphore(%arg11 : memref<!tpu.dma_semaphore, #tpu.memory_space<semaphore_mem>>)
    %dma_start3A_36 = arith.constant 1 : i32
    %dma_start3A_37 = arith.constant 0 : i32
    %dma_start3A_38 = arith.constant 0 : i32
    %dma_start3A_39 = tpu.memref_slice %arg9[%dma_start3A_37, %dma_start3A_38] : memref<200x128xf32, #tpu.memory_space<vmem>> -> memref<128x128xf32, #tpu.memory_space<vmem>>
    %dma_start3A_40 = arith.constant 0 : i32
    %dma_start3A_41 = tpu.memref_slice %arg7[%dma_start3A_36, %dma_start3A_40] : memref<128x200xi32, #tpu.memory_space<vmem>> -> memref<1x128xi32, #tpu.memory_space<vmem>>
    %dma_start3A_42 = tpu.memref_squeeze %dma_start3A_41 : memref<1x128xi32, #tpu.memory_space<vmem>> -> memref<128xi32, #tpu.memory_space<vmem>>
    %dma_start3A_43 = arith.constant 0 : i32
    %dma_start3A_44 = arith.constant 0 : i32
    %dma_start3A_45 = tpu.memref_slice %arg5[%dma_start3A_43, %dma_start3A_44] : memref<1024x128xf32, #tpu.memory_space<vmem_shared>> -> memref<1024x128xf32, #tpu.memory_space<vmem_shared>>
    tpu.enqueue_indirect_dma source(%dma_start3A_45 : memref<1024x128xf32, #tpu.memory_space<vmem_shared>>) target(%dma_start3A_39 : memref<128x128xf32, #tpu.memory_space<vmem>>) offsets(%dma_start3A_42 : memref<128xi32, #tpu.memory_space<vmem>>) semaphore(%arg12 : memref<!tpu.dma_semaphore, #tpu.memory_space<semaphore_mem>>)
    %dma_start3A_46 = arith.constant 1 : i32
    %dma_start3A_47 = arith.constant 128 : i32
    %dma_start3A_48 = arith.constant 0 : i32
    %dma_start3A_49 = tpu.memref_slice %arg9[%dma_start3A_47, %dma_start3A_48] : memref<200x128xf32, #tpu.memory_space<vmem>> -> memref<72x128xf32, #tpu.memory_space<vmem>>
    %dma_start3A_50 = arith.constant 128 : i32
    %dma_start3A_51 = tpu.memref_slice %arg7[%dma_start3A_46, %dma_start3A_50] : memref<128x200xi32, #tpu.memory_space<vmem>> -> memref<1x72xi32, #tpu.memory_space<vmem>>
    %dma_start3A_52 = tpu.memref_squeeze %dma_start3A_51 : memref<1x72xi32, #tpu.memory_space<vmem>> -> memref<72xi32, #tpu.memory_space<vmem>>
    %dma_start3A_53 = arith.constant 0 : i32
    %dma_start3A_54 = arith.constant 0 : i32
    %dma_start3A_55 = tpu.memref_slice %arg5[%dma_start3A_53, %dma_start3A_54] : memref<1024x128xf32, #tpu.memory_space<vmem_shared>> -> memref<1024x128xf32, #tpu.memory_space<vmem_shared>>
    tpu.enqueue_indirect_dma source(%dma_start3A_55 : memref<1024x128xf32, #tpu.memory_space<vmem_shared>>) target(%dma_start3A_49 : memref<72x128xf32, #tpu.memory_space<vmem>>) offsets(%dma_start3A_52 : memref<72xi32, #tpu.memory_space<vmem>>) semaphore(%arg13 : memref<!tpu.dma_semaphore, #tpu.memory_space<semaphore_mem>>)
    %scan3A_56 = arith.constant 0 : i32
    %scan3A_57 = arith.constant 0 : i32
    %scan3A_58 = arith.constant 64 : i32
    %scan3A_59 = arith.addi %scan3A_57, %scan3A_58 : i32
    %scan3A_60 = arith.constant 1 : i32
    scf.for %scan3A_78 = %scan3A_57 to %scan3A_59 step %scan3A_60  : i32 {
      %mul3A_79 = arith.constant 2 : i32
      %mul3A_80 = arith.muli %scan3A_78, %mul3A_79 : i32
      %add3A_81 = arith.constant 0 : i32
      %add3A_82 = arith.addi %mul3A_80, %add3A_81 : i32
      %dma_wait3A_83 = arith.constant 0 : i32
      %dma_wait3A_84 = arith.constant 0 : i32
      %dma_wait3A_85 = tpu.memref_slice %arg8[%dma_wait3A_83, %dma_wait3A_84] : memref<200x128xf32, #tpu.memory_space<vmem>> -> memref<128x128xf32, #tpu.memory_space<vmem>>
      %dma_wait3A_86 = arith.constant 0 : i32
      %dma_wait3A_87 = tpu.memref_slice %arg7[%add3A_82, %dma_wait3A_86] : memref<128x200xi32, #tpu.memory_space<vmem>> -> memref<1x128xi32, #tpu.memory_space<vmem>>
      %dma_wait3A_88 = tpu.memref_squeeze %dma_wait3A_87 : memref<1x128xi32, #tpu.memory_space<vmem>> -> memref<128xi32, #tpu.memory_space<vmem>>
      %dma_wait3A_89 = arith.constant 0 : i32
      %dma_wait3A_90 = arith.constant 0 : i32
      %dma_wait3A_91 = tpu.memref_slice %arg5[%dma_wait3A_89, %dma_wait3A_90] : memref<1024x128xf32, #tpu.memory_space<vmem_shared>> -> memref<1024x128xf32, #tpu.memory_space<vmem_shared>>
      tpu.wait_indirect_dma semaphore(%arg10 : memref<!tpu.dma_semaphore, #tpu.memory_space<semaphore_mem>>) src(%dma_wait3A_91 : memref<1024x128xf32, #tpu.memory_space<vmem_shared>>) dst(%dma_wait3A_85 : memref<128x128xf32, #tpu.memory_space<vmem>>)
      %dma_wait3A_92 = arith.constant 128 : i32
      %dma_wait3A_93 = arith.constant 0 : i32
      %dma_wait3A_94 = tpu.memref_slice %arg8[%dma_wait3A_92, %dma_wait3A_93] : memref<200x128xf32, #tpu.memory_space<vmem>> -> memref<72x128xf32, #tpu.memory_space<vmem>>
      %dma_wait3A_95 = arith.constant 128 : i32
      %dma_wait3A_96 = tpu.memref_slice %arg7[%add3A_82, %dma_wait3A_95] : memref<128x200xi32, #tpu.memory_space<vmem>> -> memref<1x72xi32, #tpu.memory_space<vmem>>
      %dma_wait3A_97 = tpu.memref_squeeze %dma_wait3A_96 : memref<1x72xi32, #tpu.memory_space<vmem>> -> memref<72xi32, #tpu.memory_space<vmem>>
      %dma_wait3A_98 = arith.constant 0 : i32
      %dma_wait3A_99 = arith.constant 0 : i32
      %dma_wait3A_100 = tpu.memref_slice %arg5[%dma_wait3A_98, %dma_wait3A_99] : memref<1024x128xf32, #tpu.memory_space<vmem_shared>> -> memref<1024x128xf32, #tpu.memory_space<vmem_shared>>
      tpu.wait_indirect_dma semaphore(%arg11 : memref<!tpu.dma_semaphore, #tpu.memory_space<semaphore_mem>>) src(%dma_wait3A_100 : memref<1024x128xf32, #tpu.memory_space<vmem_shared>>) dst(%dma_wait3A_94 : memref<72x128xf32, #tpu.memory_space<vmem>>)
      %add3A_101 = arith.constant 0 : i32
      %add3A_102 = arith.addi %mul3A_80, %add3A_101 : i32
      %add3A_103 = arith.addi %mul3A_2, %add3A_102 : i32
      %mul3A_104 = arith.constant 200 : i32
      %mul3A_105 = arith.muli %add3A_103, %mul3A_104 : i32
      %dma_start3A_106 = arith.constant 0 : i32
      %dma_start3A_107 = tpu.memref_slice %arg4[%mul3A_105, %dma_start3A_106] : memref<819200x128xf32, #tpu.memory_space<hbm>> -> memref<200x128xf32, #tpu.memory_space<hbm>>
      %dma_start3A_108 = arith.constant 0 : i32
      %dma_start3A_109 = tpu.memref_slice %arg4[%mul3A_105, %dma_start3A_108] : memref<819200x128xf32, #tpu.memory_space<hbm>> -> memref<200x128xf32, #tpu.memory_space<hbm>>
      tpu.enqueue_dma source(%arg8 : memref<200x128xf32, #tpu.memory_space<vmem>>) target(%dma_start3A_109 : memref<200x128xf32, #tpu.memory_space<hbm>>) target_semaphore(%arg14 : memref<!tpu.dma_semaphore, #tpu.memory_space<semaphore_mem>>)
      %add3A_110 = arith.constant 1 : i32
      %add3A_111 = arith.addi %mul3A_80, %add3A_110 : i32
      %dma_wait3A_112 = arith.constant 0 : i32
      %dma_wait3A_113 = arith.constant 0 : i32
      %dma_wait3A_114 = tpu.memref_slice %arg9[%dma_wait3A_112, %dma_wait3A_113] : memref<200x128xf32, #tpu.memory_space<vmem>> -> memref<128x128xf32, #tpu.memory_space<vmem>>
      %dma_wait3A_115 = arith.constant 0 : i32
      %dma_wait3A_116 = tpu.memref_slice %arg7[%add3A_111, %dma_wait3A_115] : memref<128x200xi32, #tpu.memory_space<vmem>> -> memref<1x128xi32, #tpu.memory_space<vmem>>
      %dma_wait3A_117 = tpu.memref_squeeze %dma_wait3A_116 : memref<1x128xi32, #tpu.memory_space<vmem>> -> memref<128xi32, #tpu.memory_space<vmem>>
      %dma_wait3A_118 = arith.constant 0 : i32
      %dma_wait3A_119 = arith.constant 0 : i32
      %dma_wait3A_120 = tpu.memref_slice %arg5[%dma_wait3A_118, %dma_wait3A_119] : memref<1024x128xf32, #tpu.memory_space<vmem_shared>> -> memref<1024x128xf32, #tpu.memory_space<vmem_shared>>
      tpu.wait_indirect_dma semaphore(%arg12 : memref<!tpu.dma_semaphore, #tpu.memory_space<semaphore_mem>>) src(%dma_wait3A_120 : memref<1024x128xf32, #tpu.memory_space<vmem_shared>>) dst(%dma_wait3A_114 : memref<128x128xf32, #tpu.memory_space<vmem>>)
      %dma_wait3A_121 = arith.constant 128 : i32
      %dma_wait3A_122 = arith.constant 0 : i32
      %dma_wait3A_123 = tpu.memref_slice %arg9[%dma_wait3A_121, %dma_wait3A_122] : memref<200x128xf32, #tpu.memory_space<vmem>> -> memref<72x128xf32, #tpu.memory_space<vmem>>
      %dma_wait3A_124 = arith.constant 128 : i32
      %dma_wait3A_125 = tpu.memref_slice %arg7[%add3A_111, %dma_wait3A_124] : memref<128x200xi32, #tpu.memory_space<vmem>> -> memref<1x72xi32, #tpu.memory_space<vmem>>
      %dma_wait3A_126 = tpu.memref_squeeze %dma_wait3A_125 : memref<1x72xi32, #tpu.memory_space<vmem>> -> memref<72xi32, #tpu.memory_space<vmem>>
      %dma_wait3A_127 = arith.constant 0 : i32
      %dma_wait3A_128 = arith.constant 0 : i32
      %dma_wait3A_129 = tpu.memref_slice %arg5[%dma_wait3A_127, %dma_wait3A_128] : memref<1024x128xf32, #tpu.memory_space<vmem_shared>> -> memref<1024x128xf32, #tpu.memory_space<vmem_shared>>
      tpu.wait_indirect_dma semaphore(%arg13 : memref<!tpu.dma_semaphore, #tpu.memory_space<semaphore_mem>>) src(%dma_wait3A_129 : memref<1024x128xf32, #tpu.memory_space<vmem_shared>>) dst(%dma_wait3A_123 : memref<72x128xf32, #tpu.memory_space<vmem>>)
      %add3A_130 = arith.constant 1 : i32
      %add3A_131 = arith.addi %mul3A_80, %add3A_130 : i32
      %add3A_132 = arith.addi %mul3A_2, %add3A_131 : i32
      %mul3A_133 = arith.constant 200 : i32
      %mul3A_134 = arith.muli %add3A_132, %mul3A_133 : i32
      %dma_start3A_135 = arith.constant 0 : i32
      %dma_start3A_136 = tpu.memref_slice %arg4[%mul3A_134, %dma_start3A_135] : memref<819200x128xf32, #tpu.memory_space<hbm>> -> memref<200x128xf32, #tpu.memory_space<hbm>>
      %dma_start3A_137 = arith.constant 0 : i32
      %dma_start3A_138 = tpu.memref_slice %arg4[%mul3A_134, %dma_start3A_137] : memref<819200x128xf32, #tpu.memory_space<hbm>> -> memref<200x128xf32, #tpu.memory_space<hbm>>
      tpu.enqueue_dma source(%arg9 : memref<200x128xf32, #tpu.memory_space<vmem>>) target(%dma_start3A_138 : memref<200x128xf32, #tpu.memory_space<hbm>>) target_semaphore(%arg15 : memref<!tpu.dma_semaphore, #tpu.memory_space<semaphore_mem>>)
      %lt3A = arith.constant 63 : i32
      %lt3A_139 = arith.cmpi slt, %scan3A_78, %lt3A : i32
      %convert_element_type3A = arith.extui %lt3A_139 : i1 to i32
      %cond3A = arith.constant 0 : i32
      %cond3A_140 = arith.cmpi ne, %convert_element_type3A, %cond3A : i32
      scf.if %cond3A_140 {
        %add3A_141 = arith.constant 0 : i32
        %add3A_142 = arith.addi %mul3A_80, %add3A_141 : i32
        %add3A_143 = arith.addi %mul3A_2, %add3A_142 : i32
        %mul3A_144 = arith.constant 200 : i32
        %mul3A_145 = arith.muli %add3A_143, %mul3A_144 : i32
        %dma_wait3A_146 = arith.constant 0 : i32
        %dma_wait3A_147 = tpu.memref_slice %arg4[%mul3A_145, %dma_wait3A_146] : memref<819200x128xf32, #tpu.memory_space<hbm>> -> memref<200x128xf32, #tpu.memory_space<hbm>>
        %dma_wait3A_148 = arith.constant 0 : i32
        %dma_wait3A_149 = tpu.memref_slice %arg4[%mul3A_145, %dma_wait3A_148] : memref<819200x128xf32, #tpu.memory_space<hbm>> -> memref<200x128xf32, #tpu.memory_space<hbm>>
        tpu.wait_dma2 semaphore(%arg14 : memref<!tpu.dma_semaphore, #tpu.memory_space<semaphore_mem>>) src(%arg8 : memref<200x128xf32, #tpu.memory_space<vmem>>) dst(%dma_wait3A_149 : memref<200x128xf32, #tpu.memory_space<hbm>>)
        %add3A_150 = arith.constant 2 : i32
        %add3A_151 = arith.addi %mul3A_80, %add3A_150 : i32
        %add3A_152 = arith.constant 0 : i32
        %add3A_153 = arith.addi %add3A_151, %add3A_152 : i32
        %dma_start3A_154 = arith.constant 0 : i32
        %dma_start3A_155 = arith.constant 0 : i32
        %dma_start3A_156 = tpu.memref_slice %arg8[%dma_start3A_154, %dma_start3A_155] : memref<200x128xf32, #tpu.memory_space<vmem>> -> memref<128x128xf32, #tpu.memory_space<vmem>>
        %dma_start3A_157 = arith.constant 0 : i32
        %dma_start3A_158 = tpu.memref_slice %arg7[%add3A_153, %dma_start3A_157] : memref<128x200xi32, #tpu.memory_space<vmem>> -> memref<1x128xi32, #tpu.memory_space<vmem>>
        %dma_start3A_159 = tpu.memref_squeeze %dma_start3A_158 : memref<1x128xi32, #tpu.memory_space<vmem>> -> memref<128xi32, #tpu.memory_space<vmem>>
        %dma_start3A_160 = arith.constant 0 : i32
        %dma_start3A_161 = arith.constant 0 : i32
        %dma_start3A_162 = tpu.memref_slice %arg5[%dma_start3A_160, %dma_start3A_161] : memref<1024x128xf32, #tpu.memory_space<vmem_shared>> -> memref<1024x128xf32, #tpu.memory_space<vmem_shared>>
        tpu.enqueue_indirect_dma source(%dma_start3A_162 : memref<1024x128xf32, #tpu.memory_space<vmem_shared>>) target(%dma_start3A_156 : memref<128x128xf32, #tpu.memory_space<vmem>>) offsets(%dma_start3A_159 : memref<128xi32, #tpu.memory_space<vmem>>) semaphore(%arg10 : memref<!tpu.dma_semaphore, #tpu.memory_space<semaphore_mem>>)
        %dma_start3A_163 = arith.constant 128 : i32
        %dma_start3A_164 = arith.constant 0 : i32
        %dma_start3A_165 = tpu.memref_slice %arg8[%dma_start3A_163, %dma_start3A_164] : memref<200x128xf32, #tpu.memory_space<vmem>> -> memref<72x128xf32, #tpu.memory_space<vmem>>
        %dma_start3A_166 = arith.constant 128 : i32
        %dma_start3A_167 = tpu.memref_slice %arg7[%add3A_153, %dma_start3A_166] : memref<128x200xi32, #tpu.memory_space<vmem>> -> memref<1x72xi32, #tpu.memory_space<vmem>>
        %dma_start3A_168 = tpu.memref_squeeze %dma_start3A_167 : memref<1x72xi32, #tpu.memory_space<vmem>> -> memref<72xi32, #tpu.memory_space<vmem>>
        %dma_start3A_169 = arith.constant 0 : i32
        %dma_start3A_170 = arith.constant 0 : i32
        %dma_start3A_171 = tpu.memref_slice %arg5[%dma_start3A_169, %dma_start3A_170] : memref<1024x128xf32, #tpu.memory_space<vmem_shared>> -> memref<1024x128xf32, #tpu.memory_space<vmem_shared>>
        tpu.enqueue_indirect_dma source(%dma_start3A_171 : memref<1024x128xf32, #tpu.memory_space<vmem_shared>>) target(%dma_start3A_165 : memref<72x128xf32, #tpu.memory_space<vmem>>) offsets(%dma_start3A_168 : memref<72xi32, #tpu.memory_space<vmem>>) semaphore(%arg11 : memref<!tpu.dma_semaphore, #tpu.memory_space<semaphore_mem>>)
        %add3A_172 = arith.constant 1 : i32
        %add3A_173 = arith.addi %mul3A_80, %add3A_172 : i32
        %add3A_174 = arith.addi %mul3A_2, %add3A_173 : i32
        %mul3A_175 = arith.constant 200 : i32
        %mul3A_176 = arith.muli %add3A_174, %mul3A_175 : i32
        %dma_wait3A_177 = arith.constant 0 : i32
        %dma_wait3A_178 = tpu.memref_slice %arg4[%mul3A_176, %dma_wait3A_177] : memref<819200x128xf32, #tpu.memory_space<hbm>> -> memref<200x128xf32, #tpu.memory_space<hbm>>
        %dma_wait3A_179 = arith.constant 0 : i32
        %dma_wait3A_180 = tpu.memref_slice %arg4[%mul3A_176, %dma_wait3A_179] : memref<819200x128xf32, #tpu.memory_space<hbm>> -> memref<200x128xf32, #tpu.memory_space<hbm>>
        tpu.wait_dma2 semaphore(%arg15 : memref<!tpu.dma_semaphore, #tpu.memory_space<semaphore_mem>>) src(%arg9 : memref<200x128xf32, #tpu.memory_space<vmem>>) dst(%dma_wait3A_180 : memref<200x128xf32, #tpu.memory_space<hbm>>)
        %add3A_181 = arith.constant 2 : i32
        %add3A_182 = arith.addi %mul3A_80, %add3A_181 : i32
        %add3A_183 = arith.constant 1 : i32
        %add3A_184 = arith.addi %add3A_182, %add3A_183 : i32
        %dma_start3A_185 = arith.constant 0 : i32
        %dma_start3A_186 = arith.constant 0 : i32
        %dma_start3A_187 = tpu.memref_slice %arg9[%dma_start3A_185, %dma_start3A_186] : memref<200x128xf32, #tpu.memory_space<vmem>> -> memref<128x128xf32, #tpu.memory_space<vmem>>
        %dma_start3A_188 = arith.constant 0 : i32
        %dma_start3A_189 = tpu.memref_slice %arg7[%add3A_184, %dma_start3A_188] : memref<128x200xi32, #tpu.memory_space<vmem>> -> memref<1x128xi32, #tpu.memory_space<vmem>>
        %dma_start3A_190 = tpu.memref_squeeze %dma_start3A_189 : memref<1x128xi32, #tpu.memory_space<vmem>> -> memref<128xi32, #tpu.memory_space<vmem>>
        %dma_start3A_191 = arith.constant 0 : i32
        %dma_start3A_192 = arith.constant 0 : i32
        %dma_start3A_193 = tpu.memref_slice %arg5[%dma_start3A_191, %dma_start3A_192] : memref<1024x128xf32, #tpu.memory_space<vmem_shared>> -> memref<1024x128xf32, #tpu.memory_space<vmem_shared>>
        tpu.enqueue_indirect_dma source(%dma_start3A_193 : memref<1024x128xf32, #tpu.memory_space<vmem_shared>>) target(%dma_start3A_187 : memref<128x128xf32, #tpu.memory_space<vmem>>) offsets(%dma_start3A_190 : memref<128xi32, #tpu.memory_space<vmem>>) semaphore(%arg12 : memref<!tpu.dma_semaphore, #tpu.memory_space<semaphore_mem>>)
        %dma_start3A_194 = arith.constant 128 : i32
        %dma_start3A_195 = arith.constant 0 : i32
        %dma_start3A_196 = tpu.memref_slice %arg9[%dma_start3A_194, %dma_start3A_195] : memref<200x128xf32, #tpu.memory_space<vmem>> -> memref<72x128xf32, #tpu.memory_space<vmem>>
        %dma_start3A_197 = arith.constant 128 : i32
        %dma_start3A_198 = tpu.memref_slice %arg7[%add3A_184, %dma_start3A_197] : memref<128x200xi32, #tpu.memory_space<vmem>> -> memref<1x72xi32, #tpu.memory_space<vmem>>
        %dma_start3A_199 = tpu.memref_squeeze %dma_start3A_198 : memref<1x72xi32, #tpu.memory_space<vmem>> -> memref<72xi32, #tpu.memory_space<vmem>>
        %dma_start3A_200 = arith.constant 0 : i32
        %dma_start3A_201 = arith.constant 0 : i32
        %dma_start3A_202 = tpu.memref_slice %arg5[%dma_start3A_200, %dma_start3A_201] : memref<1024x128xf32, #tpu.memory_space<vmem_shared>> -> memref<1024x128xf32, #tpu.memory_space<vmem_shared>>
        tpu.enqueue_indirect_dma source(%dma_start3A_202 : memref<1024x128xf32, #tpu.memory_space<vmem_shared>>) target(%dma_start3A_196 : memref<72x128xf32, #tpu.memory_space<vmem>>) offsets(%dma_start3A_199 : memref<72xi32, #tpu.memory_space<vmem>>) semaphore(%arg13 : memref<!tpu.dma_semaphore, #tpu.memory_space<semaphore_mem>>)
      } else {
      }
    }
    %scan3A_61 = arith.constant 64 : i32
    %add3A_62 = arith.constant 126 : i32
    %add3A_63 = arith.addi %mul3A_2, %add3A_62 : i32
    %mul3A_64 = arith.constant 200 : i32
    %mul3A_65 = arith.muli %add3A_63, %mul3A_64 : i32
    %dma_wait3A_66 = arith.constant 0 : i32
    %dma_wait3A_67 = tpu.memref_slice %arg4[%mul3A_65, %dma_wait3A_66] : memref<819200x128xf32, #tpu.memory_space<hbm>> -> memref<200x128xf32, #tpu.memory_space<hbm>>
    %dma_wait3A_68 = arith.constant 0 : i32
    %dma_wait3A_69 = tpu.memref_slice %arg4[%mul3A_65, %dma_wait3A_68] : memref<819200x128xf32, #tpu.memory_space<hbm>> -> memref<200x128xf32, #tpu.memory_space<hbm>>
    tpu.wait_dma2 semaphore(%arg14 : memref<!tpu.dma_semaphore, #tpu.memory_space<semaphore_mem>>) src(%arg8 : memref<200x128xf32, #tpu.memory_space<vmem>>) dst(%dma_wait3A_69 : memref<200x128xf32, #tpu.memory_space<hbm>>)
    %add3A_70 = arith.constant 127 : i32
    %add3A_71 = arith.addi %mul3A_2, %add3A_70 : i32
    %mul3A_72 = arith.constant 200 : i32
    %mul3A_73 = arith.muli %add3A_71, %mul3A_72 : i32
    %dma_wait3A_74 = arith.constant 0 : i32
    %dma_wait3A_75 = tpu.memref_slice %arg4[%mul3A_73, %dma_wait3A_74] : memref<819200x128xf32, #tpu.memory_space<hbm>> -> memref<200x128xf32, #tpu.memory_space<hbm>>
    %dma_wait3A_76 = arith.constant 0 : i32
    %dma_wait3A_77 = tpu.memref_slice %arg4[%mul3A_73, %dma_wait3A_76] : memref<819200x128xf32, #tpu.memory_space<hbm>> -> memref<200x128xf32, #tpu.memory_space<hbm>>
    tpu.wait_dma2 semaphore(%arg15 : memref<!tpu.dma_semaphore, #tpu.memory_space<semaphore_mem>>) src(%arg9 : memref<200x128xf32, #tpu.memory_space<vmem>>) dst(%dma_wait3A_77 : memref<200x128xf32, #tpu.memory_space<hbm>>)
    return
  }
}

</mosaic_0001>

<sc_bundles>
// kernel: kernel.3.cloned.1.call-start
scs
__scs_entry_jumppad:
0x0: {  	(pc) =	sbr.rel $0x88, $3  }
0x1: {  	(tag) =	ssettag $0x0;
	lr =	simm.s32 $0x1  }
0x2: {  	[smem:$0x3F9F] =	sst lr;
	_ =	strace $0xD0000000  }
0x3: {  	_ = 	snop  }
0x4: {  	_ = 	snop  }
0x5: {  	_ = 	snop  }
0x6: {  	_ = 	snop  }
0x7: {  	_ = 	snop  }
__scs_overlays_trampoline_lowered:
0x8: {  	[smem:$0x3FAE] =	sst s0  }
0x9: {  	[smem:$0x3FAF] =	sst s1  }
0xa: {  	[smem:$0x3FB0] =	sst s2  }
0xb: {  	[smem:$0x3FB1] =	sst s3  }
0xc: {  	[smem:$0x3FB2] =	sst s4  }
0xd: {  	[smem:$0x3FB3] =	sst s5  }
0xe: {  	[smem:$0x3FB4] =	sst s6  }
0xf: {  	[smem:$0x3FB5] =	sst s7  }
0x10: {  	[smem:$0x3FB6] =	sst s8  }
0x11: {  	[smem:$0x3FB7] =	sst s9;
	s0 =	simm.s32 @!p0 $0x0  }
0x12: {  	s1 =	sld [smem:$0x3F9D];
	s0 =	simm.s32 @p0 $0x1  }
0x13: {  	[smem:$0x3FB8] =	sst s0;
	s0 =	simm.s32 @!p1 $0x0  }
0x14: {  	s2 =	sld [smem:$0x3F9C];
	s0 =	simm.s32 @p1 $0x1  }
0x15: {  	[smem:$0x3FB9] =	sst s0;
	s0 =	simm.s32 @!p2 $0x0  }
0x16: {  	s3 =	sld [smem:$0x3FDB];
	s0 =	simm.s32 @p2 $0x1  }
0x17: {  	s4 =	simm.s32 $0x1BF5;
	[smem:$0x3FBB] =	sst s0  }
0x18: {  	s0 =	sld [smem:$0x3F9E];
	_ =	swait.ge [sflag:s4], $0x0  }
0x19: {  	s7 =	sld [smem:$0x3F9F]  }
0x1a: {  	s8 =	sadd.s32 $0xFFFFE003, lr  }
0x1b: {  	s9 =	sadd.s32 $0xFFFFFEF7, lr;
	s5 =	simm.s32 $0xFFFFFFFF;
	p2 =	slt.u32 s8, $0xFFFFF086  }
0x1c: {  	p1 =	slt.u32 s9, $0xF7A;
	s5 =	simm.s32 @!p2 $0x0  }
0x1d: {  	s5 =	simm.s32 @p1 $0x1;
	p0 =	seq.s32 s7, s2  }
0x1e: {  	s7 =	smul.u32 @!p0 $0xF7A, s2;
	p2 =	seq.s32 @!p0 s5, $0x0  }
0x1f: {  	s9 =	smul.u32 $0xF7A, s1;
	s8 =	simm.s32 @!p0 $0x1BF5;
	p2 =	por !p2, p0  }
0x20: {  	[sflag:s8] =	ssyncset.s32 @!p0 $0xFFFFF086;
	s6 =	sadd.s32 @!p0 s3, s7;
	s7 =	simm.s32 @!p0 $0x108  }
0x21: {  	s3 =	sadd.s32 s3, s9;
	s6 =	sadd.s32 @!p0 $0x88, s6;
	s7 =	simm.s32 @p2 $0x1082  }
0x22: {  	[simem:s7], [sflag:s8] =	dma.local @!p0 [hbm:s6], $0xF7A  }
0x23: {  	s9 =	sor.u32 $0xD0000000, s2;
	s6 =	simm.s32 $0x108;
	_ =	swait.ge @!p0 [sflag:s8], $0x0  }
0x24: {  	s3 =	sadd.s32 $0x88, s3;
	s6 =	simm.s32 @!p1 $0x1082;
	[sflag:s4] =	ssyncset.s32 $0xFFFFF086  }
0x25: {  	[simem:s6], [sflag:s4] =	dma.local [hbm:s3], $0xF7A  }
0x26: {  	[smem:$0x3F9F] =	sst s1;
	(tag) =	ssettag s2;
	_ =	strace s9  }
0x27: {  	s1 =	sld [smem:$0x3FAF]  }
0x28: {  	s2 =	sld [smem:$0x3FB0]  }
0x29: {  	s4 =	sld [smem:$0x3FB2]  }
0x2a: {  	p0 =	seq.s32 s5, $0x0;
	s5 =	sld [smem:$0x3FB3]  }
0x2b: {  	s6 =	sld [smem:$0x3FB4]  }
0x2c: {  	s7 =	sld [smem:$0x3FB5]  }
0x2d: {  	s3 =	simm.s32 $0x108;
	s8 =	sld [smem:$0x3FB6]  }
0x2e: {  	s3 =	simm.s32 @!p0 $0x1082;
	s9 =	sld [smem:$0x3FB7]  }
0x2f: {  	lr =	sadd.s32 s0, s3;
	s0 =	sld [smem:$0x3FAE]  }
0x30: {  	s3 =	sld [smem:$0x3FB1]  }
0x31: {  	[smem:$0x3FBA] =	sst s10  }
0x32: {  	s10 =	sld [smem:$0x3FB8];
	_ =	sdelay $0x3  }
0x33: {  	p0 =	seq.s32 s10, $0x1;
	s10 =	sld [smem:$0x3FBA];
	_ =	sdelay $0x3  }
0x34: {  	[smem:$0x3FBA] =	sst s10  }
0x35: {  	s10 =	sld [smem:$0x3FB9];
	_ =	sdelay $0x3  }
0x36: {  	p1 =	seq.s32 s10, $0x1;
	s10 =	sld [smem:$0x3FBA];
	_ =	sdelay $0x3  }
0x37: {  	[smem:$0x3FBA] =	sst s10  }
0x38: {  	s10 =	sld [smem:$0x3FBB]  }
0x39: {  	_ = 	snop;
	(pc) =	sbr.ind lr, $3  }
0x3a: {  	_ = 	snop  }
0x3b: {  	_ = 	snop  }
0x3c: {  	p2 =	seq.s32 s10, $0x1;
	s10 =	sld [smem:$0x3FBA]  }
0x3d: {  	_ =	shalt  }
0x3e: {  	_ =	shalt  }
0x3f: {  	_ =	shalt  }
0x40: {  	_ =	shalt  }
0x41: {  	_ =	shalt  }
0x42: {  	_ =	shalt  }
0x43: {  	_ =	shalt  }
0x44: {  	_ =	shalt  }
0x45: {  	_ =	shalt  }
0x46: {  	_ =	shalt  }
0x47: {  	_ =	shalt  }
0x48: {  	_ =	shalt  }
0x49: {  	_ =	shalt  }
0x4a: {  	_ =	shalt  }
0x4b: {  	_ =	shalt  }
0x4c: {  	_ =	shalt  }
0x4d: {  	_ =	shalt  }
0x4e: {  	_ =	shalt  }
0x4f: {  	_ =	shalt  }
0x50: {  	_ =	shalt  }
0x51: {  	_ =	shalt  }
0x52: {  	_ =	shalt  }
0x53: {  	_ =	shalt  }
0x54: {  	_ =	shalt  }
0x55: {  	_ =	shalt  }
0x56: {  	_ =	shalt  }
0x57: {  	_ =	shalt  }
0x58: {  	_ =	shalt  }
0x59: {  	_ =	shalt  }
0x5a: {  	_ =	shalt  }
0x5b: {  	_ =	shalt  }
0x5c: {  	_ =	shalt  }
0x5d: {  	_ =	shalt  }
0x5e: {  	_ =	shalt  }
0x5f: {  	_ =	shalt  }
0x60: {  	_ =	shalt  }
0x61: {  	_ =	shalt  }
0x62: {  	_ =	shalt  }
0x63: {  	_ =	shalt  }
0x64: {  	_ =	shalt  }
0x65: {  	_ =	shalt  }
0x66: {  	_ =	shalt  }
0x67: {  	_ =	shalt  }
0x68: {  	_ =	shalt  }
0x69: {  	_ =	shalt  }
0x6a: {  	_ =	shalt  }
0x6b: {  	_ =	shalt  }
0x6c: {  	_ =	shalt  }
0x6d: {  	_ =	shalt  }
0x6e: {  	_ =	shalt  }
0x6f: {  	_ =	shalt  }
0x70: {  	_ =	shalt  }
0x71: {  	_ =	shalt  }
0x72: {  	_ =	shalt  }
0x73: {  	_ =	shalt  }
0x74: {  	_ =	shalt  }
0x75: {  	_ =	shalt  }
0x76: {  	_ =	shalt  }
0x77: {  	_ =	shalt  }
0x78: {  	_ =	shalt  }
0x79: {  	_ =	shalt  }
0x7a: {  	_ =	shalt  }
0x7b: {  	_ =	shalt  }
0x7c: {  	_ =	shalt  }
0x7d: {  	_ =	shalt  }
0x7e: {  	_ =	shalt  }
0x7f: {  	_ =	shalt  }
0x80: {  	_ =	shalt  }
0x81: {  	_ =	shalt  }
0x82: {  	_ =	shalt  }
0x83: {  	_ =	shalt  }
0x84: {  	_ =	shalt  }
0x85: {  	_ =	shalt  }
0x86: {  	_ =	shalt  }
0x87: {  	_ =	shalt  }
.Lfunc_end0:
.L_simem_size_0:
called_computation_lowered:
.L_overlay_start_0:
0x88: {  	s2 =	sld [smem:$0x3FD9]  }
0x89: {  	s3 =	sld [smem:$0x3FFE];
	_ =	sdelay $0x1  }
0x8a: {  	s1 =	srdreg.scid  }
0x8b: {  	s0 =	sand.u32 $0x1, s1  }
0x8c: {  	s17 =	sshll.u32 s0, $0xA;
	s2 =	sadd.s32 s3, s2  }
0x8d: {  	s2 =	sadd.s32 s2, s17  }
0x8e: {  	[smem:$0x3FC6] =	sst s2  }
0x8f: {  	_ = 	snop  }
0x90: {  	s2 =	sld [smem:$0x3FD0];
	(tm) =	ssettm $0x1  }
0x91: {  	s18 =	sld [smem:$0x3FFB];
	_ =	sdelay $0x3  }
0x92: {  	_ =	strace s18  }
0x93: {  	s3 =	sld [smem:$0x3FFC];
	_ =	sdelay $0x3  }
0x94: {  	_ =	strace s3  }
0x95: {  	s3 =	sld [smem:$0x3FFD];
	_ =	sdelay $0x3  }
0x96: {  	_ =	strace s3  }
0x97: {  	_ =	strace $0x8FFFFFFF  }
0x98: {  	s19 =	sld [smem:$0x3FDB];
	_ =	sdelay $0x1  }
0x99: {  	s4 =	simm.s32 $_scs_section_size  }
0x9a: {  	s5 =	simm.s32 $_size__tile_overlayer_lowered;
	s6 =	simm.s32 $_tile_overlayer_lowered  }
0x9b: {  	s22 =	simm.s32 $0x1BFF;
	s21 =	sshll.u32 s6, $0x1;
	s3 =	sadd.s32 s4, s19  }
0x9c: {  	s7 =	simm.s32 $0x0;
	s20 =	sshll.u32 s5, $0x1;
	s5 =	sadd.s32 s21, s3  }
0x9d: {  	[timem:s7], [sflag:s22] =	dma.local [hbm:s5], s20  }
0x9e: {  	_ =	swait.ge [sflag:s22], s20  }
0x9f: {  	s4 =	ssub.s32 $0x0, s20;
	[sflag:s22] =	ssyncset.done $0x0  }
0xa0: {  	[sflag:s22] =	ssyncadd.s32 s4;
	_ =	sdelay $0x1  }
0xa1: {  	s23 =	simm.s32 $0x1B8B  }
0xa2: {  	_ =	swait.ge [sflag:s23], $0x1  }
0xa3: {  	[sflag:s23] =	ssyncset.done $0x0  }
0xa4: {  	s25 =	simm.s32 $0x1B8E;
	s24 =	sld [smem:$0x3FFE];
	[sflag:s23] =	ssyncadd.s32 $0xFFFFFFFF  }
0xa5: {  	s26 =	simm.s32 $execute0_lowered;
	[smem:$0x3FD2] =	sst s25  }
0xa6: {  	s5 =	sshll.u32 s26, $0x1;
	_ =	strace $0x80000046;
	[dreg:$0x1] =	wrdreg $0xFFFFFFFF  }
0xa7: {  	s28 =	simm.s32 $_size_execute0_lowered;
	s3 =	sadd.s32 s3, s5;
	[dreg:$0x0] =	wrdreg $0x0  }
0xa8: {  	s5 =	sshll.u32 s28, $0x1;
	[dreg:$0x2] =	wrdreg s3  }
0xa9: {  	[dreg:$0x3] =	wrdreg s5  }
0xaa: {  	[dreg:$0x4] =	wrdreg $0xC0  }
0xab: {  	_ =	task [dreg:s7], $0x5FFFF  }
0xac: {  	[dreg:$0x1] =	wrdreg $0xFFFFFFFF  }
0xad: {  	[dreg:$0x0] =	wrdreg $0x60  }
0xae: {  	[dreg:$0x2] =	wrdreg s24  }
0xaf: {  	[dreg:$0x3] =	wrdreg s2  }
0xb0: {  	[dreg:$0x4] =	wrdreg $0x0  }
0xb1: {  	[dreg:$0x5] =	wrdreg $0x9  }
0xb2: {  	_ =	task.clear_ibuf [dreg:s7], $0x6FFFF;
	_ =	strace $0x90000046  }
0xb3: {  	s29 =	simm.s32 $0x9;
	_ =	strace $0x80000048  }
0xb4: {  	_ =	swait.ge [sflag:s29], $0x1  }
0xb5: {  	[sflag:s29] =	ssyncadd.s32 $0xFFFFFFFF  }
0xb6: {  	_ =	strace $0x90000048  }
0xb7: {  	_ =	sfence  }
0xb8: {  	s30 =	sld [smem:$0x0];
	_ =	sdelay $0x2  }
0xb9: {  	s31 =	sshll.u32 s1, $0xD;
	s1 =	sshrl.u32 s1, $0x2  }
0xba: {  	s3 =	sand.u32 $0x4000, s31;
	s1 =	sadd.s32 s1, s30  }
0xbb: {  	s0 =	sor.u32 s3, s0;
	s1 =	sshll.u32 s1, $0x11  }
0xbc: {  	s0 =	sor.u32 s1, s0  }
0xbd: {  	s0 =	sadd.s32 $0x8F2B, s0  }
0xbe: {  	[sflag:s0] =	ssyncadd.remote.s32 $0x1  }
0xbf: {  	_ =	sfence.sel $0xFFFF  }
0xc0: {  	[dreg:$0x0] =	wrdreg $0xFFFFFFFF;
	(pc) =	sbr.abs _section_cstart, $3  }
0xc1: {  	[dreg:$0x1] =	wrdreg $0xFFFFFFFF  }
0xc2: {  	_ =	task.clear_ibuf [dreg:s7], $0x2FFFF;
	_ =	strace $0x9FFFFFFF  }
0xc3: {  	(tm) =	ssettm $0x7FFFFFFF  }
tec
execute0_lowered:
.L_overlay_start_1:
0x0: {  	(tag) =	ssettag $0x1  }
0x1: {  	s0 =	rddreg [dreg:$0x0]  }
0x2: {  	s1 =	rddreg [dreg:$0x1]  }
0x3: {  	s2 =	rddreg [dreg:$0x2];
	s4 =	srdreg.scid  }
0x4: {  	s3 =	simm.s32 $0x0;
	s10 =	stileid.u32;
	s11 =	simm.s32 $0x4000  }
0x5: {  	s12 =	simm.s32 $0x2000;
	s13 =	simm.s32 $0x7;
	s14 =	simm.s32 $0x1  }
0x6: {  	s15 =	simm.s32 $0x80;
	s16 =	simm.s32 $0xC000;
	s17 =	simm.s32 $0x48  }
0x7: {  	s19 =	simm.s32 $0x10000;
	s28 =	simm.s32 $0x5;
	s29 =	simm.s32 $0x6  }
0x8: {  	s30 =	simm.s32 $0x0;
	s7 =	sand.u32 $0x1, s4;
	[smem:$0x7FF] =	sst s3  }
0x9: {  	s21 =	sshll.u32 s10, $0x8;
	s22 =	sshll.u32 s10, $0xA;
	s25 =	sshll.u32 s10, $0xD  }
0xa: {  	s26 =	smul.u32 $0xC8000, s10;
	s5 =	sshll.u32 s7, $0x7;
	_ =	strace $0x80000047  }
0xb: {  	s8 =	ssub.s32 $0x2, s7;
	s9 =	sadd.s32 s22, s0;
	s31 =	smul.u32 $0x64000, s7  }
0xc: {  	s5 =	sor.u32 s5, s21;
	s23 =	sshrl.u32 s8, $0x1;
	s21 =	simm.s32 $0x12400  }
0xd: {  	s6 =	sshll.u32 s5, $0x5;
	s8 =	ssub.s32 s8, s23;
	s24 =	smul.u32 $0xC80, s5  }
0xe: {  	s5 =	sadd.s32 $0x20600, s9;
	s23 =	simm.s32 $0x16400;
	s0 =	sadd.s32 s6, s0  }
0xf: {  	s6 =	sadd.s32 s25, s2;
	s7 =	smax.u32 s8, $0x1;
	s0 =	sadd.s32 $0x600, s0  }
0x10: {  	s25 =	simm.s32 $0x3;
	[dreg:$0x4] =	wrdreg s0;
	s0 =	sadd.s32 s1, s24  }
0x11: {  	s1 =	sadd.s32 s26, s1;
	s24 =	simm.s32 $0x2;
	s26 =	simm.s32 $0x4  }
0x12: {  	s8 =	sadd.s32 $0x62700, s0;
	s9 =	sadd.s32 $0x63380, s0;
	s10 =	sadd.s32 s31, s1  }
.LBB2_1:
0x13: {  	s0 =	rddreg [dreg:$0x4]  }
0x14: {  	[tilespmem:s11], [sflag:$0x1] =	stream.linear.gather [hbm4b:s0+s3], $0x8000, $0x38;
	[tilespmem:$0x18800] =	vst v63  }
0x15: {  	_ = 	snop  }
0x16: {  	[tilespmem:s12], [sflag:$0x7] =	stream.linear.gather [hbm4b:s5+s3], $0x2000, $0x38;
	[tilespmem:$0x18800] =	vst v63  }
0x17: {  	_ =	swait.ge [sflag:s13], $0x2000  }
0x18: {  	[sflag:s13] =	ssyncset.done $0x0  }
0x19: {  	s0 =	simm.s32 $0x0;
	[sflag:s13] =	ssyncadd.s32 $0xFFFFE000  }
0x1a: {  	v3 =	vld [tilespmem:s0+$0x2000]  }
0x1b: {  	v5 =	vld [tilespmem:s0+$0x2010]  }
0x1c: {  	v4 =	vld [tilespmem:s0+$0x2020]  }
0x1d: {  	v2 =	vld [tilespmem:s0+$0x2030]  }
0x1e: {  	v0 =	vld [tilespmem:s0+$0x2040]  }
0x1f: {  	v1 =	vld [tilespmem:s0+$0x2050];
	v6 =	vmul.f32 $1.131370830e+01, v3  }
0x20: {  	s1 =	simm.s32 $0x200;
	v5 =	vmul.f32 $1.131370830e+01, v5;
	v3 =	vld [tilespmem:s0+$0x2060]  }
.LBB2_2:
0x21: {  	s18 =	sshra.s32 s1, $0x2;
	p0 =	sne.s32 s1, $0x7E00;
	[tilespmem:s0+$0x2000] =	vst v6;
	v4 =	vmul.f32 $1.131370830e+01, v4;
	v6 =	vld [tilespmem:s0+$0x2070]  }
0x22: {  	v7 =	vld [tilespmem:s18+$0x2000];
	[tilespmem:s0+$0x2010] =	vst v5;
	v2 =	vmul.f32 $1.131370830e+01, v2  }
0x23: {  	v5 =	vld [tilespmem:s18+$0x2010];
	[tilespmem:s0+$0x2020] =	vst v4;
	v0 =	vmul.f32 $1.131370830e+01, v0  }
.Ltmp0:
0x24: {  	v4 =	vld [tilespmem:s18+$0x2020];
	[tilespmem:s0+$0x2030] =	vst v2;
	v1 =	vmul.f32 $1.131370830e+01, v1;
	(pc) =	sbr.rel @p0 .LBB2_2-.Ltmp0, $4  }
0x25: {  	v2 =	vld [tilespmem:s18+$0x2030];
	[tilespmem:s0+$0x2040] =	vst v0;
	v3 =	vmul.f32 $1.131370830e+01, v3  }
0x26: {  	v0 =	vld [tilespmem:s18+$0x2040];
	[tilespmem:s0+$0x2050] =	vst v1;
	v8 =	vmul.f32 $1.131370830e+01, v6  }
0x27: {  	v6 =	vmul.f32 $1.131370830e+01, v7;
	v1 =	vld [tilespmem:s18+$0x2050];
	[tilespmem:s0+$0x2060] =	vst v3  }
0x28: {  	s1 =	sadd.s32 $0x200, s1;
	v5 =	vmul.f32 $1.131370830e+01, v5;
	v3 =	vld [tilespmem:s18+$0x2060];
	[tilespmem:s0+$0x2070] =	vst v8;
	s0 =	smov.u32 s18  }
0x29: {  	[tilespmem:s0+$0x2000] =	vst v6;
	v4 =	vmul.f32 $1.131370830e+01, v4;
	v61 =	vld [tilespmem:s0+$0x2070]  }
0x2a: {  	[tilespmem:s0+$0x2010] =	vst v5;
	v2 =	vmul.f32 $1.131370830e+01, v2  }
0x2b: {  	[tilespmem:s0+$0x2020] =	vst v4;
	v0 =	vmul.f32 $1.131370830e+01, v0  }
0x2c: {  	[tilespmem:s0+$0x2030] =	vst v2;
	v1 =	vmul.f32 $1.131370830e+01, v1  }
0x2d: {  	[tilespmem:s0+$0x2040] =	vst v0;
	v62 =	vmul.f32 $1.131370830e+01, v3  }
0x2e: {  	[tilespmem:s0+$0x2050] =	vst v1;
	v63 =	vmul.f32 $1.131370830e+01, v61  }
0x2f: {  	[tilespmem:s0+$0x2060] =	vst v62  }
0x30: {  	[tilespmem:s0+$0x2070] =	vst v63  }
0x31: {  	[spmem:s6] =	stream.linear.scatter [tilespmem:s12], [sflag:$0x7], $0x2000, $0x38;
	[tilespmem:$0x18800] =	vst v63  }
0x32: {  	_ =	swait.ge [sflag:s13], $0x2000  }
0x33: {  	[sflag:s13] =	ssyncset.done $0x0  }
0x34: {  	[sflag:s13] =	ssyncadd.s32 $0xFFFFE000  }
0x35: {  	_ =	swait.ge [sflag:s14], $0x8000  }
0x36: {  	[sflag:s14] =	ssyncset.done $0x0  }
0x37: {  	[sflag:s14] =	ssyncadd.s32 $0xFFFF8000  }
0x38: {  	[bflag:$0x0] =	sbarrier.arrive $0xFFFF  }
0x39: {  	[tilespmem:s16], [sflag:$0x1] =	stream.indirect.gather [spmem:s2], $0x80, s11, s15, $0xb8;
	[tilespmem:$0x18800] =	vst v63  }
0x3a: {  	s20 =	simm.s32 $0x4400  }
0x3b: {  	[tilespmem:s19], [sflag:$0x2] =	stream.indirect.gather [spmem:s2], $0x80, s20, s17, $0xb8;
	[tilespmem:$0x18800] =	vst v63  }
0x3c: {  	s22 =	simm.s32 $0x4080  }
0x3d: {  	[tilespmem:s21], [sflag:$0x3] =	stream.indirect.gather [spmem:s2], $0x80, s22, s15, $0xb8;
	[tilespmem:$0x18800] =	vst v63  }
0x3e: {  	s1 =	simm.s32 $0x4480  }
0x3f: {  	[tilespmem:s23], [sflag:$0x4] =	stream.indirect.gather [spmem:s2], $0x80, s1, s17, $0xb8;
	[tilespmem:$0x18800] =	vst v63  }
0x40: {  	_ =	swait.ge [sflag:s14], $0x4000  }
0x41: {  	[sflag:s14] =	ssyncset.done $0x0  }
0x42: {  	[sflag:s14] =	ssyncadd.s32 $0xFFFFC000  }
0x43: {  	_ =	swait.ge [sflag:s24], $0x2400  }
0x44: {  	[sflag:s24] =	ssyncset.done $0x0  }
0x45: {  	[sflag:s24] =	ssyncadd.s32 $0xFFFFDC00  }
0x46: {  	[hbm4b:s10+s3] =	stream.linear.scatter [tilespmem:s16], [sflag:$0x5], $0x6400, $0x38;
	[tilespmem:$0x18800] =	vst v63  }
0x47: {  	_ =	swait.ge [sflag:s25], $0x4000  }
0x48: {  	[sflag:s25] =	ssyncset.done $0x0  }
0x49: {  	[sflag:s25] =	ssyncadd.s32 $0xFFFFC000  }
0x4a: {  	_ =	swait.ge [sflag:s26], $0x2400  }
0x4b: {  	s4 =	simm.s32 $0x100;
	[sflag:s26] =	ssyncset.done $0x0  }
0x4c: {  	s18 =	simm.s32 $0x200;
	s1 =	sadd.s32 $0xC80, s10;
	[sflag:s26] =	ssyncadd.s32 $0xFFFFDC00  }
0x4d: {  	[hbm4b:s1+s3] =	stream.linear.scatter [tilespmem:s21], [sflag:$0x6], $0x6400, $0x38;
	[tilespmem:$0x18800] =	vst v63  }
0x4e: {  	s0 =	sand.u32 $0x300, s4;
	s20 =	sand.u32 $0xF800, s18;
	_ =	swait.ge [sflag:s28], $0x6400  }
0x4f: {  	s0 =	sor.u32 s0, s20;
	[sflag:s28] =	ssyncset.done $0x0  }
0x50: {  	s1 =	sadd.s32 $0x4000, s0;
	[sflag:s28] =	ssyncadd.s32 $0xFFFF9C00  }
0x51: {  	[tilespmem:s16], [sflag:$0x1] =	stream.indirect.gather [spmem:s2], $0x80, s1, s15, $0xb8;
	[tilespmem:$0x18800] =	vst v63  }
0x52: {  	s4 =	simm.s32 $0x300;
	s22 =	simm.s32 $0x180;
	s0 =	sadd.s32 $0x4400, s0  }
0x53: {  	[tilespmem:s19], [sflag:$0x2] =	stream.indirect.gather [spmem:s2], $0x80, s0, s17, $0xb8;
	[tilespmem:$0x18800] =	vst v63  }
0x54: {  	s20 =	sand.u32 $0x380, s22;
	s22 =	sand.u32 $0xF800, s4;
	_ =	swait.ge [sflag:s29], $0x6400  }
0x55: {  	s0 =	sor.u32 s20, s22;
	[sflag:s29] =	ssyncset.done $0x0  }
0x56: {  	s31 =	simm.s32 $0x280;
	s1 =	sadd.s32 $0x4000, s0;
	[sflag:s29] =	ssyncadd.s32 $0xFFFF9C00  }
0x57: {  	[tilespmem:s21], [sflag:$0x3] =	stream.indirect.gather [spmem:s2], $0x80, s1, s15, $0xb8;
	[tilespmem:$0x18800] =	vst v63  }
0x58: {  	s18 =	sadd.s32 $0x4400, s0;
	s0 =	sadd.s32 $0x1900, s10;
	s1 =	simm.s32 $0x500  }
.LBB2_4:
0x59: {  	[tilespmem:s23], [sflag:$0x4] =	stream.indirect.gather [spmem:s2], $0x80, s18, s17, $0xb8;
	[tilespmem:$0x18800] =	vst v63  }
0x5a: {  	s18 =	smov.u32 s31  }
0x5b: {  	p0 =	sne.s32 s31, $0x3F80;
	s31 =	sadd.s32 $0x100, s31;
	_ =	swait.ge [sflag:s14], $0x4000  }
0x5c: {  	[sflag:s14] =	ssyncset.done $0x0  }
0x5d: {  	[sflag:s14] =	ssyncadd.s32 $0xFFFFC000  }
0x5e: {  	_ =	swait.ge [sflag:s24], $0x2400  }
0x5f: {  	[sflag:s24] =	ssyncset.done $0x0  }
0x60: {  	[sflag:s24] =	ssyncadd.s32 $0xFFFFDC00  }
0x61: {  	[hbm4b:s0+s3] =	stream.linear.scatter [tilespmem:s16], [sflag:$0x5], $0x6400, $0x38;
	[tilespmem:$0x18800] =	vst v63  }
0x62: {  	_ =	swait.ge [sflag:s25], $0x4000  }
0x63: {  	[sflag:s25] =	ssyncset.done $0x0  }
0x64: {  	[sflag:s25] =	ssyncadd.s32 $0xFFFFC000  }
0x65: {  	_ =	swait.ge [sflag:s26], $0x2400  }
0x66: {  	s20 =	sadd.s32 $0xFFFFFF80, s18;
	[sflag:s26] =	ssyncset.done $0x0  }
0x67: {  	s22 =	sadd.s32 $0xC80, s0;
	s4 =	sadd.s32 $0xFFFFFF00, s1;
	[sflag:s26] =	ssyncadd.s32 $0xFFFFDC00  }
0x68: {  	[hbm4b:s22+s3] =	stream.linear.scatter [tilespmem:s21], [sflag:$0x6], $0x6400, $0x38;
	[tilespmem:$0x18800] =	vst v63  }
0x69: {  	s4 =	sand.u32 $0xF800, s4;
	s20 =	sand.u32 $0x300, s20;
	_ =	swait.ge [sflag:s28], $0x6400  }
0x6a: {  	s4 =	sor.u32 s20, s4;
	[sflag:s28] =	ssyncset.done $0x0  }
0x6b: {  	s20 =	sadd.s32 $0x4000, s4;
	[sflag:s28] =	ssyncadd.s32 $0xFFFF9C00  }
0x6c: {  	[tilespmem:s16], [sflag:$0x1] =	stream.indirect.gather [spmem:s2], $0x80, s20, s15, $0xb8;
	[tilespmem:$0x18800] =	vst v63  }
0x6d: {  	s18 =	sand.u32 $0x380, s18;
	s4 =	sadd.s32 $0x4400, s4  }
0x6e: {  	[tilespmem:s19], [sflag:$0x2] =	stream.indirect.gather [spmem:s2], $0x80, s4, s17, $0xb8;
	[tilespmem:$0x18800] =	vst v63  }
.Ltmp1:
0x6f: {  	s4 =	sand.u32 $0xF800, s1;
	_ =	swait.ge [sflag:s29], $0x6400;
	(pc) =	sbr.rel @p0 .LBB2_4-.Ltmp1, $4  }
0x70: {  	s4 =	sor.u32 s18, s4;
	[sflag:s29] =	ssyncset.done $0x0  }
0x71: {  	s18 =	sadd.s32 $0x4000, s4;
	[sflag:s29] =	ssyncadd.s32 $0xFFFF9C00  }
0x72: {  	[tilespmem:s21], [sflag:$0x3] =	stream.indirect.gather [spmem:s2], $0x80, s18, s15, $0xb8;
	[tilespmem:$0x18800] =	vst v63  }
0x73: {  	s0 =	sadd.s32 $0x1900, s0;
	s1 =	sadd.s32 $0x200, s1;
	s18 =	sadd.s32 $0x4400, s4  }
0x74: {  	[tilespmem:s23], [sflag:$0x4] =	stream.indirect.gather [spmem:s2], $0x80, s18, s17, $0xb8;
	[tilespmem:$0x18800] =	vst v63  }
0x75: {  	_ =	swait.ge [sflag:s14], $0x4000  }
0x76: {  	[sflag:s14] =	ssyncset.done $0x0  }
0x77: {  	[sflag:s14] =	ssyncadd.s32 $0xFFFFC000  }
0x78: {  	_ =	swait.ge [sflag:s24], $0x2400  }
0x79: {  	[sflag:s24] =	ssyncset.done $0x0  }
0x7a: {  	[sflag:s24] =	ssyncadd.s32 $0xFFFFDC00  }
0x7b: {  	[hbm4b:s8+s3] =	stream.linear.scatter [tilespmem:s16], [sflag:$0x5], $0x6400, $0x38;
	[tilespmem:$0x18800] =	vst v63  }
0x7c: {  	_ =	swait.ge [sflag:s25], $0x4000  }
0x7d: {  	[sflag:s25] =	ssyncset.done $0x0  }
0x7e: {  	[sflag:s25] =	ssyncadd.s32 $0xFFFFC000  }
0x7f: {  	_ =	swait.ge [sflag:s26], $0x2400  }
0x80: {  	[sflag:s26] =	ssyncset.done $0x0  }
0x81: {  	s30 =	sadd.s32 $0x1, s30;
	[sflag:s26] =	ssyncadd.s32 $0xFFFFDC00  }
0x82: {  	[hbm4b:s9+s3] =	stream.linear.scatter [tilespmem:s21], [sflag:$0x6], $0x6400, $0x38;
	[tilespmem:$0x18800] =	vst v63  }
0x83: {  	p0 =	sne.s32 s30, s7;
	_ =	swait.ge [sflag:s28], $0x6400  }
.Ltmp2:
0x84: {  	[sflag:s28] =	ssyncset.done $0x0;
	(pc) =	sbr.rel @p0 .LBB2_1-.Ltmp2, $4  }
0x85: {  	[sflag:s28] =	ssyncadd.s32 $0xFFFF9C00  }
0x86: {  	_ =	swait.ge [sflag:s29], $0x6400  }
0x87: {  	[sflag:s29] =	ssyncset.done $0x0  }
0x88: {  	[sflag:s29] =	ssyncadd.s32 $0xFFFF9C00  }
0x89: {  	_ =	sfence.sel $0x180000  }
0x8a: {  	[bflag:$0x0] =	sbarrier.arrive $0xFFFF  }
0x8b: {  	_ =	strace $0x90000047  }
0x8c: {  	s0 =	stileid.u32;
	[bflag:$0x2] =	sbarrier.arrive $0xFFFF  }
0x8d: {  	p0 =	sne.s32 s0, $0x0;
	s0 =	rddreg [dreg:$0x3]  }
0x8e: {  	s0 =	sadd.s32 @!p0 $0x100000, s0  }
0x8f: {  	[sflag:s0] =	ssyncadd.tile.s32 @!p0 $0x1;
	_ =	shalt  }
.Lfunc_end2:
_tile_overlayer_lowered:
.L_overlay_start_2:
0x90: {  	(tag) =	ssettag $0x2  }
0x91: {  	s0 =	rddreg [dreg:$0x0];
	s2 =	stileid.u32  }
0x92: {  	s1 =	rddreg [dreg:$0x1];
	p0 =	sne.s32 s2, $0x0  }
0x93: {  	s3 =	rddreg [dreg:$0x2];
	[bflag:$0x3] =	sbarrier.arrive $0xFFFF;
	s2 =	simm.s32 @!p0 $0x1C07  }
0x94: {  	[timem:s3], [sflag:s2] =	dma.local @!p0 [hbm:s0], s1  }
0x95: {  	s0 =	simm.s32 @!p0 $0x7  }
0x96: {  	_ =	swait.ge @!p0 [sflag:s0], s1  }
0x97: {  	s1 =	ssub.s32 @!p0 $0x0, s1;
	[sflag:s0] =	ssyncset.done @!p0 $0x0  }
0x98: {  	[sflag:s0] =	ssyncadd.s32 @!p0 s1  }
0x99: {  	[bflag:$0x3] =	sbarrier.arrive $0xFFFF  }
0x9a: {  	_ =	shalt  }

</sc_bundles>
